<compile_context>
chip_gen: v7x
topology: tpu7x:2x2x1
jax: 0.10.2.dev20260603
libtpu: 0.0.44.dev20260713+nightly
codegen_flags: <defaults>
</compile_context>

<pallas_src>
import functools

import jax
import jax.numpy as jnp
from jax import lax
from jax.experimental import pallas as pl
from jax.experimental.pallas import tpu as pltpu
from jax.experimental.pallas import tpu_sc as plsc

_N = 52
_NP = 64
_E = 832
_WIN = 5
_HID = 512
_OUT = 128
_LANES = 16
_EG = _E // _LANES


def _sc_edge_scatter_body(edge_hbm, ew_hbm, out_hbm, acc_v, edge_v, ew_v,
                          sem1, sem2):
    cid = lax.axis_index("c")
    sid = lax.axis_index("s")

    @pl.when(sid == 0)
    def _():
        cp_edge = pltpu.make_async_copy(edge_hbm, edge_v, sem1)
        cp_ew = pltpu.make_async_copy(ew_hbm, ew_v, sem2)
        cp_edge.start()
        cp_ew.start()
        zero = jnp.zeros((_LANES,), jnp.float32)

        def zbody(r, carry):
            for c in range(_NP // _LANES):
                acc_v[r, pl.ds(pl.multiple_of(c * _LANES, _LANES), _LANES)] \
                    = zero
            return carry

        lax.fori_loop(0, _N, zbody, 0)
        cp_edge.wait()
        cp_ew.wait()
        base = cid * (_EG // 2)

        def sbody(g, carry):
            off = pl.multiple_of((base + g) * _LANES, _LANES)
            s = edge_v[0, pl.ds(off, _LANES)]
            d = edge_v[1, pl.ds(off, _LANES)]
            w = ew_v[pl.ds(off, _LANES)]
            plsc.addupdate_scatter(acc_v, [d, s], w)
            return carry

        lax.fori_loop(0, _EG // 2, sbody, 0)
        pltpu.sync_copy(acc_v, out_hbm.at[cid])


@functools.cache
def _sc_edge_scatter():
    return pl.kernel(
        _sc_edge_scatter_body,
        out_type=jax.ShapeDtypeStruct((2, _N, _NP), jnp.float32),
        mesh=plsc.VectorSubcoreMesh(core_axis_name="c", subcore_axis_name="s"),
        compiler_params=pltpu.CompilerParams(needs_layout_passes=False),
        scratch_types=[
            pltpu.VMEM((_N, _NP), jnp.float32),
            pltpu.VMEM((2, _E), jnp.int32),
            pltpu.VMEM((_E,), jnp.float32),
            pltpu.SemaphoreType.DMA,
            pltpu.SemaphoreType.DMA,
        ],
    )


def _tc_temporal_body(x_ref, w_ref, b_ref, aw_ref, h_ref):
    hs = [jnp.dot(x_ref[t], w_ref[t], preferred_element_type=jnp.float32)
          for t in range(_WIN)]
    att = aw_ref[...]
    ss = [jnp.sum(h * att, axis=1, keepdims=True) for h in hs]
    m = ss[0]
    for s in ss[1:]:
        m = jnp.maximum(m, s)
    es = [jnp.exp(s - m) for s in ss]
    z = es[0]
    for e in es[1:]:
        z = z + e
    h = es[0] * hs[0]
    for t in range(1, _WIN):
        h = h + es[t] * hs[t]
    h_ref[...] = h / z + b_ref[...]


def _tc_gcn_body(h_ref, W1_ref, b1_ref, W2_ref, b2_ref,
                 g1_ref, be1_ref, g2_ref, be2_ref, lw_ref, lb_ref, acc_ref,
                 o_ref):
    a_raw = acc_ref[0, :, :_N] + acc_ref[1, :, :_N]
    deg = jnp.sum(a_raw, axis=1, keepdims=True) + 1.0
    dinv = lax.rsqrt(deg)
    rr = lax.broadcasted_iota(jnp.int32, (_N, _N), 0)
    cc = lax.broadcasted_iota(jnp.int32, (_N, _N), 1)
    a_n = jnp.where(rr == cc, a_raw + 1.0, a_raw)

    bn_rows = jnp.concatenate(
        [g1_ref[...], be1_ref[...], g2_ref[...], be2_ref[...]], axis=0)
    bn = jnp.transpose(bn_rows)

    def gcn(hin, W_r, bb_r):
        hw = jnp.dot(hin, W_r[...], preferred_element_type=jnp.float32)
        agg = jnp.dot(a_n, dinv * hw, preferred_element_type=jnp.float32)
        return dinv * agg + bb_r[...]

    def norm_relu(v, g, be):
        mean = jnp.mean(v, axis=1, keepdims=True)
        cen = v - mean
        var = jnp.mean(cen * cen, axis=1, keepdims=True)
        vn = cen * lax.rsqrt(var + 1e-5) * g + be
        return jnp.maximum(vn, 0.0)

    h1 = norm_relu(gcn(h_ref[...], W1_ref, b1_ref), bn[:, 0:1], bn[:, 1:2])
    h2 = norm_relu(gcn(h1, W2_ref, b2_ref), bn[:, 2:3], bn[:, 3:4])
    o_ref[...] = (jnp.dot(h2, lw_ref[...], preferred_element_type=jnp.float32)
                  + lb_ref[...])


def _tc_temporal_call(args, interpret=False):
    return pl.pallas_call(
        _tc_temporal_body,
        out_shape=jax.ShapeDtypeStruct((_N, _HID), jnp.float32),
        interpret=interpret,
    )(*args)


def _tc_gcn_call(args, interpret=False):
    return pl.pallas_call(
        _tc_gcn_body,
        out_shape=jax.ShapeDtypeStruct((_N, _OUT), jnp.float32),
        interpret=interpret,
    )(*args)


def kernel(x, edge_index, edge_weight, weight, bias, attn_w, W1, b1, W2, b2,
           bn1_g, bn1_b, bn2_g, bn2_b, lin_W, lin_b):
    acc = _sc_edge_scatter()(jnp.asarray(edge_index, jnp.int32),
                             jnp.asarray(edge_weight, jnp.float32))
    h = _tc_temporal_call((x, weight, bias.reshape(1, -1),
                           attn_w.reshape(1, -1)))
    return _tc_gcn_call((
        h,
        W1, b1.reshape(1, -1), W2, b2.reshape(1, -1),
        bn1_g.reshape(1, -1), bn1_b.reshape(1, -1),
        bn2_g.reshape(1, -1), bn2_b.reshape(1, -1),
        lin_W, lin_b.reshape(1, -1), acc,
    ))

# --- scband reference (transcript-rebuilt; emitter-appended) ---
"""Pipeline reference for scband-temporal-gnn-21500606284423 (READ-ONLY COPY).

The authoritative reference and input builder live on the scoring server;
editing this copy changes nothing except your own understanding.
"""

import jax, jax.numpy as jnp
import numpy as np

NUM_NODES = 52
IN_C = 512
HID = 512
OUT_C = 128
WIN = 5
E = 832

def _xavier(k, shape):
    fan_in, fan_out = shape[-2], shape[-1]
    lim = float(np.sqrt(6.0 / (fan_in + fan_out)))
    return jax.random.uniform(k, shape, jnp.float32, -lim, lim)

def setup_inputs(seed: int = 0):
    key = jax.random.key(seed)
    ks = jax.random.split(key, 10)
    x = jax.random.normal(ks[0], (WIN, NUM_NODES, IN_C), jnp.float32)
    edge_index = jax.random.randint(ks[1], (2, E), 0, NUM_NODES)
    edge_weight = jax.random.uniform(ks[2], (E,), jnp.float32)
    weight = _xavier(ks[3], (WIN, IN_C, HID))
    bias = jnp.zeros((HID,), jnp.float32)
    attn_w = _xavier(ks[4], (HID, 1))
    W1 = _xavier(ks[5], (HID, HID))
    b1 = jnp.zeros((HID,), jnp.float32)
    W2 = _xavier(ks[6], (HID, HID))
    b2 = jnp.zeros((HID,), jnp.float32)
    bn1_g = jnp.ones((NUM_NODES,), jnp.float32)
    bn1_b = jnp.zeros((NUM_NODES,), jnp.float32)
    bn2_g = jnp.ones((NUM_NODES,), jnp.float32)
    bn2_b = jnp.zeros((NUM_NODES,), jnp.float32)
    lin_W = _xavier(ks[7], (HID, OUT_C))
    lin_b = jnp.zeros((OUT_C,), jnp.float32)
    return {"x": x, "edge_index": edge_index, "edge_weight": edge_weight, "weight": weight, "bias": bias, "attn_w": attn_w, "W1": W1, "b1": b1, "W2": W2, "b2": b2, "bn1_g": bn1_g, "bn1_b": bn1_b, "bn2_g": bn2_g, "bn2_b": bn2_b, "lin_W": lin_W, "lin_b": lin_b}

def _gcn_conv(h, edge_index, edge_weight, W, b):
    n = h.shape[0]
    loop = jnp.arange(n)
    src = jnp.concatenate([edge_index[0], loop])
    dst = jnp.concatenate([edge_index[1], loop])
    ew = jnp.concatenate([edge_weight, jnp.ones((n,), h.dtype)])
    deg = jnp.zeros((n,), h.dtype).at[dst].add(ew)
    dinv = jnp.where(deg > 0, jax.lax.rsqrt(deg), 0.0)
    norm = dinv[src] * ew * dinv[dst]
    hw = h @ W
    msg = hw[src] * norm[:, None]
    out = jnp.zeros_like(hw).at[dst].add(msg)
    return out + b

def _batch_norm(xT, gamma, beta):
    mean = xT.mean(axis=0, keepdims=True)
    var = xT.var(axis=0, keepdims=True)
    return (xT - mean) / jnp.sqrt(var + 1e-5) * gamma + beta

def reference(x, edge_index, edge_weight, weight, bias, attn_w, W1, b1, W2, b2, bn1_g, bn1_b, bn2_g, bn2_b, lin_W, lin_b):
    xp = jnp.transpose(x, (1, 0, 2))
    h = jnp.einsum('ntc,tch->nth', xp, weight)
    scores = jnp.einsum('nth,ho->nto', h, attn_w)
    aw = jax.nn.softmax(scores, axis=1)
    h = jnp.sum(h * aw, axis=1) + bias
    h1 = _gcn_conv(h, edge_index, edge_weight, W1, b1)
    h1 = _batch_norm(h1.T, bn1_g, bn1_b).T
    h1 = jax.nn.relu(h1)
    h2 = _gcn_conv(h1, edge_index, edge_weight, W2, b2)
    h2 = _batch_norm(h2.T, bn2_g, bn2_b).T
    h2 = jax.nn.relu(h2)
    return h2 @ lin_W + lin_b

if __name__ == "__main__":
    import jax
    _d = setup_inputs()
    print(jax.jit(kernel)(*tuple(_d.values())))

</pallas_src>

<mosaic_0001>
#map = affine_map<(d0, d1) -> (0, 0)>
#map1 = affine_map<(d0, d1) -> (0)>
#map2 = affine_map<(d0, d1) -> (0, 0, 0)>
module attributes {stable_mosaic.version = 14 : i64} {
  func.func @_sc_edge_scatter_body(%arg0: i32, %arg1: i32, %arg2: memref<2x832xi32, #tpu.memory_space<hbm>>, %arg3: memref<832xf32, #tpu.memory_space<hbm>>, %arg4: memref<2x52x64xf32, #tpu.memory_space<hbm>>, %arg5: memref<52x64xf32, #tpu.memory_space<vmem>>, %arg6: memref<2x832xi32, #tpu.memory_space<vmem>>, %arg7: memref<832xf32, #tpu.memory_space<vmem>>, %arg8: memref<!tpu.dma_semaphore, #tpu.memory_space<semaphore_mem>>, %arg9: memref<!tpu.dma_semaphore, #tpu.memory_space<semaphore_mem>>) attributes {dimension_semantics = [#tpu.dimension_semantics<core_parallel>, #tpu.dimension_semantics<subcore_parallel>], iteration_bounds = array<i64: 2, 16>, scalar_prefetch = 0 : i64, scratch_operands = 5 : i64, tpu.core_type = #tpu.core_type<sc_vector_subcore>, window_params = [{transform_indices = #map}, {transform_indices = #map1}, {transform_indices = #map2}]} {
    %eq3A = arith.constant 0 : i32
    %eq3A_0 = arith.cmpi eq, %arg1, %eq3A : i32
    %convert_element_type3A = arith.extui %eq3A_0 : i1 to i32
    %cond3A = arith.constant 0 : i32
    %cond3A_1 = arith.cmpi ne, %convert_element_type3A, %cond3A : i32
    scf.if %cond3A_1 {
      tpu.enqueue_dma source(%arg2 : memref<2x832xi32, #tpu.memory_space<hbm>>) target(%arg6 : memref<2x832xi32, #tpu.memory_space<vmem>>) target_semaphore(%arg8 : memref<!tpu.dma_semaphore, #tpu.memory_space<semaphore_mem>>)
      tpu.enqueue_dma source(%arg3 : memref<832xf32, #tpu.memory_space<hbm>>) target(%arg7 : memref<832xf32, #tpu.memory_space<vmem>>) target_semaphore(%arg9 : memref<!tpu.dma_semaphore, #tpu.memory_space<semaphore_mem>>)
      %broadcast_in_dim3A = arith.constant 0.000000e+00 : f32
      %broadcast_in_dim3A_2 = vector.broadcast %broadcast_in_dim3A : f32 to vector<16xf32>
      %scan3A = arith.constant 0 : i32
      %scan3A_3 = arith.constant 0 : i32
      %scan3A_4 = arith.constant 52 : i32
      %scan3A_5 = arith.addi %scan3A_3, %scan3A_4 : i32
      %scan3A_6 = arith.constant 1 : i32
      scf.for %scan3A_15 = %scan3A_3 to %scan3A_5 step %scan3A_6  : i32 {
        %multiple_of3A = arith.constant 0 : i32
        %multiple_of3A_16 = tpu.assume_multiple %multiple_of3A, 16 : i32
        %swap3A = arith.index_cast %scan3A_15 : i32 to index
        %swap3A_17 = arith.index_cast %multiple_of3A_16 : i32 to index
        %swap3A_18 = tpu.vector_load %arg5[%swap3A, %swap3A_17] {strides = array<i32>} : memref<52x64xf32, #tpu.memory_space<vmem>>, vector<16xf32>,
        tpu.vector_store %arg5[%swap3A, %swap3A_17], %broadcast_in_dim3A_2 {strides = array<i32>} : memref<52x64xf32, #tpu.memory_space<vmem>>, vector<16xf32>,
        %multiple_of3A_19 = arith.constant 16 : i32
        %multiple_of3A_20 = tpu.assume_multiple %multiple_of3A_19, 16 : i32
        %swap3A_21 = arith.index_cast %scan3A_15 : i32 to index
        %swap3A_22 = arith.index_cast %multiple_of3A_20 : i32 to index
        %swap3A_23 = tpu.vector_load %arg5[%swap3A_21, %swap3A_22] {strides = array<i32>} : memref<52x64xf32, #tpu.memory_space<vmem>>, vector<16xf32>,
        tpu.vector_store %arg5[%swap3A_21, %swap3A_22], %broadcast_in_dim3A_2 {strides = array<i32>} : memref<52x64xf32, #tpu.memory_space<vmem>>, vector<16xf32>,
        %multiple_of3A_24 = arith.constant 32 : i32
        %multiple_of3A_25 = tpu.assume_multiple %multiple_of3A_24, 16 : i32
        %swap3A_26 = arith.index_cast %scan3A_15 : i32 to index
        %swap3A_27 = arith.index_cast %multiple_of3A_25 : i32 to index
        %swap3A_28 = tpu.vector_load %arg5[%swap3A_26, %swap3A_27] {strides = array<i32>} : memref<52x64xf32, #tpu.memory_space<vmem>>, vector<16xf32>,
        tpu.vector_store %arg5[%swap3A_26, %swap3A_27], %broadcast_in_dim3A_2 {strides = array<i32>} : memref<52x64xf32, #tpu.memory_space<vmem>>, vector<16xf32>,
        %multiple_of3A_29 = arith.constant 48 : i32
        %multiple_of3A_30 = tpu.assume_multiple %multiple_of3A_29, 16 : i32
        %swap3A_31 = arith.index_cast %scan3A_15 : i32 to index
        %swap3A_32 = arith.index_cast %multiple_of3A_30 : i32 to index
        %swap3A_33 = tpu.vector_load %arg5[%swap3A_31, %swap3A_32] {strides = array<i32>} : memref<52x64xf32, #tpu.memory_space<vmem>>, vector<16xf32>,
        tpu.vector_store %arg5[%swap3A_31, %swap3A_32], %broadcast_in_dim3A_2 {strides = array<i32>} : memref<52x64xf32, #tpu.memory_space<vmem>>, vector<16xf32>,
      }
      %scan3A_7 = arith.constant 52 : i32
      tpu.wait_dma2 semaphore(%arg8 : memref<!tpu.dma_semaphore, #tpu.memory_space<semaphore_mem>>) src(%arg2 : memref<2x832xi32, #tpu.memory_space<hbm>>) dst(%arg6 : memref<2x832xi32, #tpu.memory_space<vmem>>)
      tpu.wait_dma2 semaphore(%arg9 : memref<!tpu.dma_semaphore, #tpu.memory_space<semaphore_mem>>) src(%arg3 : memref<832xf32, #tpu.memory_space<hbm>>) dst(%arg7 : memref<832xf32, #tpu.memory_space<vmem>>)
      %mul3A = arith.constant 26 : i32
      %mul3A_8 = arith.muli %arg0, %mul3A : i32
      %scan3A_9 = arith.constant 0 : i32
      %scan3A_10 = arith.constant 0 : i32
      %scan3A_11 = arith.constant 26 : i32
      %scan3A_12 = arith.addi %scan3A_10, %scan3A_11 : i32
      %scan3A_13 = arith.constant 1 : i32
      scf.for %scan3A_15 = %scan3A_10 to %scan3A_12 step %scan3A_13  : i32 {
        %add3A = arith.addi %mul3A_8, %scan3A_15 : i32
        %mul3A_16 = arith.constant 16 : i32
        %mul3A_17 = arith.muli %add3A, %mul3A_16 : i32
        %multiple_of3A = tpu.assume_multiple %mul3A_17, 16 : i32
        %get3A = arith.constant 0 : i32
        %get3A_18 = arith.index_cast %get3A : i32 to index
        %get3A_19 = arith.index_cast %multiple_of3A : i32 to index
        %get3A_20 = tpu.vector_load %arg6[%get3A_18, %get3A_19] {strides = array<i32>} : memref<2x832xi32, #tpu.memory_space<vmem>>, vector<16xi32>,
        %get3A_21 = arith.constant 1 : i32
        %get3A_22 = arith.index_cast %get3A_21 : i32 to index
        %get3A_23 = arith.index_cast %multiple_of3A : i32 to index
        %get3A_24 = tpu.vector_load %arg6[%get3A_22, %get3A_23] {strides = array<i32>} : memref<2x832xi32, #tpu.memory_space<vmem>>, vector<16xi32>,
        %get3A_25 = arith.index_cast %multiple_of3A : i32 to index
        %get3A_26 = tpu.vector_load %arg7[%get3A_25] {strides = array<i32>} : memref<832xf32, #tpu.memory_space<vmem>>, vector<16xf32>,
        tpu.vector_store_idx %arg5[%get3A_24, %get3A_20], %get3A_26 {add = true} : memref<52x64xf32, #tpu.memory_space<vmem>>[vector<16xi32>, vector<16xi32>], vector<16xf32>,
      }
      %scan3A_14 = arith.constant 26 : i32
      "tpu.region"() ({
        %run_scoped3A = tpu.sem_alloc : memref<!tpu.dma_semaphore, #tpu.memory_space<semaphore_mem>>
        %dma_start3A = arith.constant 0 : i32
        %dma_start3A_15 = arith.constant 0 : i32
        %dma_start3A_16 = tpu.memref_slice %arg4[%arg0, %dma_start3A, %dma_start3A_15] : memref<2x52x64xf32, #tpu.memory_space<hbm>> -> memref<1x52x64xf32, #tpu.memory_space<hbm>>
        %dma_start3A_17 = tpu.memref_squeeze %dma_start3A_16 : memref<1x52x64xf32, #tpu.memory_space<hbm>> -> memref<52x64xf32, #tpu.memory_space<hbm>>
        %dma_start3A_18 = arith.constant 0 : i32
        %dma_start3A_19 = arith.constant 0 : i32
        %dma_start3A_20 = tpu.memref_slice %arg4[%arg0, %dma_start3A_18, %dma_start3A_19] : memref<2x52x64xf32, #tpu.memory_space<hbm>> -> memref<1x52x64xf32, #tpu.memory_space<hbm>>
        %dma_start3A_21 = tpu.memref_squeeze %dma_start3A_20 : memref<1x52x64xf32, #tpu.memory_space<hbm>> -> memref<52x64xf32, #tpu.memory_space<hbm>>
        tpu.enqueue_dma source(%arg5 : memref<52x64xf32, #tpu.memory_space<vmem>>) target(%dma_start3A_21 : memref<52x64xf32, #tpu.memory_space<hbm>>) target_semaphore(%run_scoped3A : memref<!tpu.dma_semaphore, #tpu.memory_space<semaphore_mem>>)
        %dma_wait3A = arith.constant 0 : i32
        %dma_wait3A_22 = arith.constant 0 : i32
        %dma_wait3A_23 = tpu.memref_slice %arg4[%arg0, %dma_wait3A, %dma_wait3A_22] : memref<2x52x64xf32, #tpu.memory_space<hbm>> -> memref<1x52x64xf32, #tpu.memory_space<hbm>>
        %dma_wait3A_24 = tpu.memref_squeeze %dma_wait3A_23 : memref<1x52x64xf32, #tpu.memory_space<hbm>> -> memref<52x64xf32, #tpu.memory_space<hbm>>
        %dma_wait3A_25 = arith.constant 0 : i32
        %dma_wait3A_26 = arith.constant 0 : i32
        %dma_wait3A_27 = tpu.memref_slice %arg4[%arg0, %dma_wait3A_25, %dma_wait3A_26] : memref<2x52x64xf32, #tpu.memory_space<hbm>> -> memref<1x52x64xf32, #tpu.memory_space<hbm>>
        %dma_wait3A_28 = tpu.memref_squeeze %dma_wait3A_27 : memref<1x52x64xf32, #tpu.memory_space<hbm>> -> memref<52x64xf32, #tpu.memory_space<hbm>>
        tpu.wait_dma2 semaphore(%run_scoped3A : memref<!tpu.dma_semaphore, #tpu.memory_space<semaphore_mem>>) src(%arg5 : memref<52x64xf32, #tpu.memory_space<vmem>>) dst(%dma_wait3A_28 : memref<52x64xf32, #tpu.memory_space<hbm>>)
        tpu.yield
      }) : () -> ()
    } else {
    }
    return
  }
}

module attributes {stable_mosaic.version = 14 : i64} {
  func.func @_tc_gcn_body(%arg0: memref<52x512xf32, #tpu.memory_space<vmem>>, %arg1: memref<512x512xf32, #tpu.memory_space<vmem>>, %arg2: memref<1x512xf32, #tpu.memory_space<vmem>>, %arg3: memref<512x512xf32, #tpu.memory_space<vmem>>, %arg4: memref<1x512xf32, #tpu.memory_space<vmem>>, %arg5: memref<1x52xf32, #tpu.memory_space<vmem>>, %arg6: memref<1x52xf32, #tpu.memory_space<vmem>>, %arg7: memref<1x52xf32, #tpu.memory_space<vmem>>, %arg8: memref<1x52xf32, #tpu.memory_space<vmem>>, %arg9: memref<512x128xf32, #tpu.memory_space<vmem>>, %arg10: memref<1x128xf32, #tpu.memory_space<vmem>>, %arg11: memref<2x52x64xf32, #tpu.memory_space<vmem>>, %arg12: memref<52x128xf32, #tpu.memory_space<vmem>>) attributes {dimension_semantics = [], scalar_prefetch = 0 : i64, scratch_operands = 0 : i64, tpu.core_type = #tpu.core_type<tc>} {
    %get3A = arith.constant 0 : index
    %get3A_0 = arith.constant 0 : index
    %get3A_1 = arith.constant 0 : index
    %get3A_2 = vector.load %arg11[%get3A, %get3A_0, %get3A_1] : memref<2x52x64xf32, #tpu.memory_space<vmem>>, vector<1x52x52xf32>
    %get3A_3 = vector.shape_cast %get3A_2 : vector<1x52x52xf32> to vector<52x52xf32>
    %get3A_4 = arith.constant 1 : index
    %get3A_5 = arith.constant 0 : index
    %get3A_6 = arith.constant 0 : index
    %get3A_7 = vector.load %arg11[%get3A_4, %get3A_5, %get3A_6] : memref<2x52x64xf32, #tpu.memory_space<vmem>>, vector<1x52x52xf32>
    %get3A_8 = vector.shape_cast %get3A_7 : vector<1x52x52xf32> to vector<52x52xf32>
    %add3A = arith.addf %get3A_3, %get3A_8 : vector<52x52xf32>
    %reduce_sum3A = arith.constant dense<0.000000e+00> : vector<52xf32>
    %reduce_sum3A_9 = vector.multi_reduction <add>, %add3A, %reduce_sum3A [1] : vector<52x52xf32> to vector<52xf32>
    %broadcast_in_dim3A = vector.shape_cast %reduce_sum3A_9 : vector<52xf32> to vector<52x1xf32>
    %add3A_10 = arith.constant 1.000000e+00 : f32
    %add3A_11 = vector.broadcast %add3A_10 : f32 to vector<52x1xf32>
    %add3A_12 = arith.addf %broadcast_in_dim3A, %add3A_11 : vector<52x1xf32>
    %rsqrt3A = math.rsqrt %add3A_12 : vector<52x1xf32>
    %iota3A = tpu.iota {dimensions = array<i32: 0>} : vector<52x52xi32>
    %iota3A_13 = tpu.iota {dimensions = array<i32: 1>} : vector<52x52xi32>
    %eq3A = arith.cmpi eq, %iota3A, %iota3A_13 : vector<52x52xi32>
    %add3A_14 = arith.constant 1.000000e+00 : f32
    %add3A_15 = vector.broadcast %add3A_14 : f32 to vector<52x52xf32>
    %add3A_16 = arith.addf %add3A, %add3A_15 : vector<52x52xf32>
    %select_n3A = arith.select %eq3A, %add3A_16, %add3A : vector<52x52xi1>, vector<52x52xf32>
    %get3A_17 = arith.constant 0 : index
    %get3A_18 = arith.constant 0 : index
    %get3A_19 = vector.load %arg5[%get3A_17, %get3A_18] : memref<1x52xf32, #tpu.memory_space<vmem>>, vector<1x52xf32>
    %get3A_20 = arith.constant 0 : index
    %get3A_21 = arith.constant 0 : index
    %get3A_22 = vector.load %arg6[%get3A_20, %get3A_21] : memref<1x52xf32, #tpu.memory_space<vmem>>, vector<1x52xf32>
    %get3A_23 = arith.constant 0 : index
    %get3A_24 = arith.constant 0 : index
    %get3A_25 = vector.load %arg7[%get3A_23, %get3A_24] : memref<1x52xf32, #tpu.memory_space<vmem>>, vector<1x52xf32>
    %get3A_26 = arith.constant 0 : index
    %get3A_27 = arith.constant 0 : index
    %get3A_28 = vector.load %arg8[%get3A_26, %get3A_27] : memref<1x52xf32, #tpu.memory_space<vmem>>, vector<1x52xf32>
    %concatenate3A = tpu.concatenate %get3A_19, %get3A_22, %get3A_25, %get3A_28 in 0 : vector<1x52xf32>, vector<1x52xf32>, vector<1x52xf32>, vector<1x52xf32> -> vector<4x52xf32>
    %transpose3A = tpu.transpose %concatenate3A, [1, 0] : vector<4x52xf32> -> vector<52x4xf32>
    %get3A_29 = arith.constant 0 : index
    %get3A_30 = arith.constant 0 : index
    %get3A_31 = vector.load %arg0[%get3A_29, %get3A_30] : memref<52x512xf32, #tpu.memory_space<vmem>>, vector<52x512xf32>
    %get3A_32 = arith.constant 0 : index
    %get3A_33 = arith.constant 0 : index
    %get3A_34 = vector.load %arg1[%get3A_32, %get3A_33] : memref<512x512xf32, #tpu.memory_space<vmem>>, vector<512x512xf32>
    %dot_general3A = arith.constant dense<0.000000e+00> : vector<52x512xf32>
    %dot_general3A_35 = tpu.matmul %get3A_31, %get3A_34, %dot_general3A {dimension_numbers = #tpu.dot_dimension_numbers<[1], [0], [0], [1], [0, 0, 1, 1], [], []>, transpose_lhs_hint = false} : vector<52x512xf32>, vector<512x512xf32>, vector<52x512xf32> -> vector<52x512xf32>
    %mul3A = vector.broadcast %rsqrt3A : vector<52x1xf32> to vector<52x512xf32>
    %mul3A_36 = arith.mulf %mul3A, %dot_general3A_35 : vector<52x512xf32>
    %dot_general3A_37 = arith.constant dense<0.000000e+00> : vector<52x512xf32>
    %dot_general3A_38 = tpu.matmul %select_n3A, %mul3A_36, %dot_general3A_37 {dimension_numbers = #tpu.dot_dimension_numbers<[1], [0], [0], [1], [0, 0, 1, 1], [], []>, transpose_lhs_hint = false} : vector<52x52xf32>, vector<52x512xf32>, vector<52x512xf32> -> vector<52x512xf32>
    %mul3A_39 = vector.broadcast %rsqrt3A : vector<52x1xf32> to vector<52x512xf32>
    %mul3A_40 = arith.mulf %mul3A_39, %dot_general3A_38 : vector<52x512xf32>
    %get3A_41 = arith.constant 0 : index
    %get3A_42 = arith.constant 0 : index
    %get3A_43 = vector.load %arg2[%get3A_41, %get3A_42] : memref<1x512xf32, #tpu.memory_space<vmem>>, vector<1x512xf32>
    %add3A_44 = vector.broadcast %get3A_43 : vector<1x512xf32> to vector<52x512xf32>
    %add3A_45 = arith.addf %mul3A_40, %add3A_44 : vector<52x512xf32>
    %slice3A = vector.extract_strided_slice %transpose3A {offsets = [0, 0], sizes = [52, 1], strides = [1, 1]} : vector<52x4xf32> to vector<52x1xf32>
    %slice3A_46 = vector.extract_strided_slice %transpose3A {offsets = [0, 1], sizes = [52, 1], strides = [1, 1]} : vector<52x4xf32> to vector<52x1xf32>
    %reduce_sum3A_47 = arith.constant dense<0.000000e+00> : vector<52xf32>
    %reduce_sum3A_48 = vector.multi_reduction <add>, %add3A_45, %reduce_sum3A_47 [1] : vector<52x512xf32> to vector<52xf32>
    %broadcast_in_dim3A_49 = vector.shape_cast %reduce_sum3A_48 : vector<52xf32> to vector<52x1xf32>
    %div3A = arith.constant 5.120000e+02 : f32
    %div3A_50 = vector.broadcast %div3A : f32 to vector<52x1xf32>
    %div3A_51 = arith.divf %broadcast_in_dim3A_49, %div3A_50 : vector<52x1xf32>
    %sub3A = vector.broadcast %div3A_51 : vector<52x1xf32> to vector<52x512xf32>
    %sub3A_52 = arith.subf %add3A_45, %sub3A : vector<52x512xf32>
    %mul3A_53 = arith.mulf %sub3A_52, %sub3A_52 : vector<52x512xf32>
    %reduce_sum3A_54 = arith.constant dense<0.000000e+00> : vector<52xf32>
    %reduce_sum3A_55 = vector.multi_reduction <add>, %mul3A_53, %reduce_sum3A_54 [1] : vector<52x512xf32> to vector<52xf32>
    %broadcast_in_dim3A_56 = vector.shape_cast %reduce_sum3A_55 : vector<52xf32> to vector<52x1xf32>
    %div3A_57 = arith.constant 5.120000e+02 : f32
    %div3A_58 = vector.broadcast %div3A_57 : f32 to vector<52x1xf32>
    %div3A_59 = arith.divf %broadcast_in_dim3A_56, %div3A_58 : vector<52x1xf32>
    %add3A_60 = arith.constant 9.99999974E-6 : f32
    %add3A_61 = vector.broadcast %add3A_60 : f32 to vector<52x1xf32>
    %add3A_62 = arith.addf %div3A_59, %add3A_61 : vector<52x1xf32>
    %rsqrt3A_63 = math.rsqrt %add3A_62 : vector<52x1xf32>
    %mul3A_64 = vector.broadcast %rsqrt3A_63 : vector<52x1xf32> to vector<52x512xf32>
    %mul3A_65 = arith.mulf %sub3A_52, %mul3A_64 : vector<52x512xf32>
    %mul3A_66 = vector.broadcast %slice3A : vector<52x1xf32> to vector<52x512xf32>
    %mul3A_67 = arith.mulf %mul3A_65, %mul3A_66 : vector<52x512xf32>
    %add3A_68 = vector.broadcast %slice3A_46 : vector<52x1xf32> to vector<52x512xf32>
    %add3A_69 = arith.addf %mul3A_67, %add3A_68 : vector<52x512xf32>
    %max3A = arith.constant 0.000000e+00 : f32
    %max3A_70 = vector.broadcast %max3A : f32 to vector<52x512xf32>
    %max3A_71 = arith.maximumf %add3A_69, %max3A_70 : vector<52x512xf32>
    %get3A_72 = arith.constant 0 : index
    %get3A_73 = arith.constant 0 : index
    %get3A_74 = vector.load %arg3[%get3A_72, %get3A_73] : memref<512x512xf32, #tpu.memory_space<vmem>>, vector<512x512xf32>
    %dot_general3A_75 = arith.constant dense<0.000000e+00> : vector<52x512xf32>
    %dot_general3A_76 = tpu.matmul %max3A_71, %get3A_74, %dot_general3A_75 {dimension_numbers = #tpu.dot_dimension_numbers<[1], [0], [0], [1], [0, 0, 1, 1], [], []>, transpose_lhs_hint = false} : vector<52x512xf32>, vector<512x512xf32>, vector<52x512xf32> -> vector<52x512xf32>
    %mul3A_77 = vector.broadcast %rsqrt3A : vector<52x1xf32> to vector<52x512xf32>
    %mul3A_78 = arith.mulf %mul3A_77, %dot_general3A_76 : vector<52x512xf32>
    %dot_general3A_79 = arith.constant dense<0.000000e+00> : vector<52x512xf32>
    %dot_general3A_80 = tpu.matmul %select_n3A, %mul3A_78, %dot_general3A_79 {dimension_numbers = #tpu.dot_dimension_numbers<[1], [0], [0], [1], [0, 0, 1, 1], [], []>, transpose_lhs_hint = false} : vector<52x52xf32>, vector<52x512xf32>, vector<52x512xf32> -> vector<52x512xf32>
    %mul3A_81 = vector.broadcast %rsqrt3A : vector<52x1xf32> to vector<52x512xf32>
    %mul3A_82 = arith.mulf %mul3A_81, %dot_general3A_80 : vector<52x512xf32>
    %get3A_83 = arith.constant 0 : index
    %get3A_84 = arith.constant 0 : index
    %get3A_85 = vector.load %arg4[%get3A_83, %get3A_84] : memref<1x512xf32, #tpu.memory_space<vmem>>, vector<1x512xf32>
    %add3A_86 = vector.broadcast %get3A_85 : vector<1x512xf32> to vector<52x512xf32>
    %add3A_87 = arith.addf %mul3A_82, %add3A_86 : vector<52x512xf32>
    %slice3A_88 = vector.extract_strided_slice %transpose3A {offsets = [0, 2], sizes = [52, 1], strides = [1, 1]} : vector<52x4xf32> to vector<52x1xf32>
    %slice3A_89 = vector.extract_strided_slice %transpose3A {offsets = [0, 3], sizes = [52, 1], strides = [1, 1]} : vector<52x4xf32> to vector<52x1xf32>
    %reduce_sum3A_90 = arith.constant dense<0.000000e+00> : vector<52xf32>
    %reduce_sum3A_91 = vector.multi_reduction <add>, %add3A_87, %reduce_sum3A_90 [1] : vector<52x512xf32> to vector<52xf32>
    %broadcast_in_dim3A_92 = vector.shape_cast %reduce_sum3A_91 : vector<52xf32> to vector<52x1xf32>
    %div3A_93 = arith.constant 5.120000e+02 : f32
    %div3A_94 = vector.broadcast %div3A_93 : f32 to vector<52x1xf32>
    %div3A_95 = arith.divf %broadcast_in_dim3A_92, %div3A_94 : vector<52x1xf32>
    %sub3A_96 = vector.broadcast %div3A_95 : vector<52x1xf32> to vector<52x512xf32>
    %sub3A_97 = arith.subf %add3A_87, %sub3A_96 : vector<52x512xf32>
    %mul3A_98 = arith.mulf %sub3A_97, %sub3A_97 : vector<52x512xf32>
    %reduce_sum3A_99 = arith.constant dense<0.000000e+00> : vector<52xf32>
    %reduce_sum3A_100 = vector.multi_reduction <add>, %mul3A_98, %reduce_sum3A_99 [1] : vector<52x512xf32> to vector<52xf32>
    %broadcast_in_dim3A_101 = vector.shape_cast %reduce_sum3A_100 : vector<52xf32> to vector<52x1xf32>
    %div3A_102 = arith.constant 5.120000e+02 : f32
    %div3A_103 = vector.broadcast %div3A_102 : f32 to vector<52x1xf32>
    %div3A_104 = arith.divf %broadcast_in_dim3A_101, %div3A_103 : vector<52x1xf32>
    %add3A_105 = arith.constant 9.99999974E-6 : f32
    %add3A_106 = vector.broadcast %add3A_105 : f32 to vector<52x1xf32>
    %add3A_107 = arith.addf %div3A_104, %add3A_106 : vector<52x1xf32>
    %rsqrt3A_108 = math.rsqrt %add3A_107 : vector<52x1xf32>
    %mul3A_109 = vector.broadcast %rsqrt3A_108 : vector<52x1xf32> to vector<52x512xf32>
    %mul3A_110 = arith.mulf %sub3A_97, %mul3A_109 : vector<52x512xf32>
    %mul3A_111 = vector.broadcast %slice3A_88 : vector<52x1xf32> to vector<52x512xf32>
    %mul3A_112 = arith.mulf %mul3A_110, %mul3A_111 : vector<52x512xf32>
    %add3A_113 = vector.broadcast %slice3A_89 : vector<52x1xf32> to vector<52x512xf32>
    %add3A_114 = arith.addf %mul3A_112, %add3A_113 : vector<52x512xf32>
    %max3A_115 = arith.constant 0.000000e+00 : f32
    %max3A_116 = vector.broadcast %max3A_115 : f32 to vector<52x512xf32>
    %max3A_117 = arith.maximumf %add3A_114, %max3A_116 : vector<52x512xf32>
    %get3A_118 = arith.constant 0 : index
    %get3A_119 = arith.constant 0 : index
    %get3A_120 = vector.load %arg9[%get3A_118, %get3A_119] : memref<512x128xf32, #tpu.memory_space<vmem>>, vector<512x128xf32>
    %dot_general3A_121 = arith.constant dense<0.000000e+00> : vector<52x128xf32>
    %dot_general3A_122 = tpu.matmul %max3A_117, %get3A_120, %dot_general3A_121 {dimension_numbers = #tpu.dot_dimension_numbers<[1], [0], [0], [1], [0, 0, 1, 1], [], []>, transpose_lhs_hint = false} : vector<52x512xf32>, vector<512x128xf32>, vector<52x128xf32> -> vector<52x128xf32>
    %get3A_123 = arith.constant 0 : index
    %get3A_124 = arith.constant 0 : index
    %get3A_125 = vector.load %arg10[%get3A_123, %get3A_124] : memref<1x128xf32, #tpu.memory_space<vmem>>, vector<1x128xf32>
    %add3A_126 = vector.broadcast %get3A_125 : vector<1x128xf32> to vector<52x128xf32>
    %add3A_127 = arith.addf %dot_general3A_122, %add3A_126 : vector<52x128xf32>
    %swap3A = arith.constant 0 : index
    %swap3A_128 = arith.constant 0 : index
    %swap3A_129 = vector.load %arg12[%swap3A, %swap3A_128] : memref<52x128xf32, #tpu.memory_space<vmem>>, vector<52x128xf32>
    tpu.vector_store %arg12[%swap3A, %swap3A_128], %add3A_127 {strides = array<i32>} : memref<52x128xf32, #tpu.memory_space<vmem>>, vector<52x128xf32>,
    return
  }
}

module attributes {stable_mosaic.version = 14 : i64} {
  func.func @_tc_temporal_body(%arg0: memref<5x52x512xf32, #tpu.memory_space<vmem>>, %arg1: memref<5x512x512xf32, #tpu.memory_space<vmem>>, %arg2: memref<1x512xf32, #tpu.memory_space<vmem>>, %arg3: memref<1x512xf32, #tpu.memory_space<vmem>>, %arg4: memref<52x512xf32, #tpu.memory_space<vmem>>) attributes {dimension_semantics = [], scalar_prefetch = 0 : i64, scratch_operands = 0 : i64, tpu.core_type = #tpu.core_type<tc>} {
    %get3A = arith.constant 0 : index
    %get3A_0 = arith.constant 0 : index
    %get3A_1 = arith.constant 0 : index
    %get3A_2 = vector.load %arg0[%get3A, %get3A_0, %get3A_1] : memref<5x52x512xf32, #tpu.memory_space<vmem>>, vector<1x52x512xf32>
    %get3A_3 = vector.shape_cast %get3A_2 : vector<1x52x512xf32> to vector<52x512xf32>
    %get3A_4 = arith.constant 0 : index
    %get3A_5 = arith.constant 0 : index
    %get3A_6 = arith.constant 0 : index
    %get3A_7 = vector.load %arg1[%get3A_4, %get3A_5, %get3A_6] : memref<5x512x512xf32, #tpu.memory_space<vmem>>, vector<1x512x512xf32>
    %get3A_8 = vector.shape_cast %get3A_7 : vector<1x512x512xf32> to vector<512x512xf32>
    %dot_general3A = arith.constant dense<0.000000e+00> : vector<52x512xf32>
    %dot_general3A_9 = tpu.matmul %get3A_3, %get3A_8, %dot_general3A {dimension_numbers = #tpu.dot_dimension_numbers<[1], [0], [0], [1], [0, 0, 1, 1], [], []>, transpose_lhs_hint = false} : vector<52x512xf32>, vector<512x512xf32>, vector<52x512xf32> -> vector<52x512xf32>
    %get3A_10 = arith.constant 1 : index
    %get3A_11 = arith.constant 0 : index
    %get3A_12 = arith.constant 0 : index
    %get3A_13 = vector.load %arg0[%get3A_10, %get3A_11, %get3A_12] : memref<5x52x512xf32, #tpu.memory_space<vmem>>, vector<1x52x512xf32>
    %get3A_14 = vector.shape_cast %get3A_13 : vector<1x52x512xf32> to vector<52x512xf32>
    %get3A_15 = arith.constant 1 : index
    %get3A_16 = arith.constant 0 : index
    %get3A_17 = arith.constant 0 : index
    %get3A_18 = vector.load %arg1[%get3A_15, %get3A_16, %get3A_17] : memref<5x512x512xf32, #tpu.memory_space<vmem>>, vector<1x512x512xf32>
    %get3A_19 = vector.shape_cast %get3A_18 : vector<1x512x512xf32> to vector<512x512xf32>
    %dot_general3A_20 = arith.constant dense<0.000000e+00> : vector<52x512xf32>
    %dot_general3A_21 = tpu.matmul %get3A_14, %get3A_19, %dot_general3A_20 {dimension_numbers = #tpu.dot_dimension_numbers<[1], [0], [0], [1], [0, 0, 1, 1], [], []>, transpose_lhs_hint = false} : vector<52x512xf32>, vector<512x512xf32>, vector<52x512xf32> -> vector<52x512xf32>
    %get3A_22 = arith.constant 2 : index
    %get3A_23 = arith.constant 0 : index
    %get3A_24 = arith.constant 0 : index
    %get3A_25 = vector.load %arg0[%get3A_22, %get3A_23, %get3A_24] : memref<5x52x512xf32, #tpu.memory_space<vmem>>, vector<1x52x512xf32>
    %get3A_26 = vector.shape_cast %get3A_25 : vector<1x52x512xf32> to vector<52x512xf32>
    %get3A_27 = arith.constant 2 : index
    %get3A_28 = arith.constant 0 : index
    %get3A_29 = arith.constant 0 : index
    %get3A_30 = vector.load %arg1[%get3A_27, %get3A_28, %get3A_29] : memref<5x512x512xf32, #tpu.memory_space<vmem>>, vector<1x512x512xf32>
    %get3A_31 = vector.shape_cast %get3A_30 : vector<1x512x512xf32> to vector<512x512xf32>
    %dot_general3A_32 = arith.constant dense<0.000000e+00> : vector<52x512xf32>
    %dot_general3A_33 = tpu.matmul %get3A_26, %get3A_31, %dot_general3A_32 {dimension_numbers = #tpu.dot_dimension_numbers<[1], [0], [0], [1], [0, 0, 1, 1], [], []>, transpose_lhs_hint = false} : vector<52x512xf32>, vector<512x512xf32>, vector<52x512xf32> -> vector<52x512xf32>
    %get3A_34 = arith.constant 3 : index
    %get3A_35 = arith.constant 0 : index
    %get3A_36 = arith.constant 0 : index
    %get3A_37 = vector.load %arg0[%get3A_34, %get3A_35, %get3A_36] : memref<5x52x512xf32, #tpu.memory_space<vmem>>, vector<1x52x512xf32>
    %get3A_38 = vector.shape_cast %get3A_37 : vector<1x52x512xf32> to vector<52x512xf32>
    %get3A_39 = arith.constant 3 : index
    %get3A_40 = arith.constant 0 : index
    %get3A_41 = arith.constant 0 : index
    %get3A_42 = vector.load %arg1[%get3A_39, %get3A_40, %get3A_41] : memref<5x512x512xf32, #tpu.memory_space<vmem>>, vector<1x512x512xf32>
    %get3A_43 = vector.shape_cast %get3A_42 : vector<1x512x512xf32> to vector<512x512xf32>
    %dot_general3A_44 = arith.constant dense<0.000000e+00> : vector<52x512xf32>
    %dot_general3A_45 = tpu.matmul %get3A_38, %get3A_43, %dot_general3A_44 {dimension_numbers = #tpu.dot_dimension_numbers<[1], [0], [0], [1], [0, 0, 1, 1], [], []>, transpose_lhs_hint = false} : vector<52x512xf32>, vector<512x512xf32>, vector<52x512xf32> -> vector<52x512xf32>
    %get3A_46 = arith.constant 4 : index
    %get3A_47 = arith.constant 0 : index
    %get3A_48 = arith.constant 0 : index
    %get3A_49 = vector.load %arg0[%get3A_46, %get3A_47, %get3A_48] : memref<5x52x512xf32, #tpu.memory_space<vmem>>, vector<1x52x512xf32>
    %get3A_50 = vector.shape_cast %get3A_49 : vector<1x52x512xf32> to vector<52x512xf32>
    %get3A_51 = arith.constant 4 : index
    %get3A_52 = arith.constant 0 : index
    %get3A_53 = arith.constant 0 : index
    %get3A_54 = vector.load %arg1[%get3A_51, %get3A_52, %get3A_53] : memref<5x512x512xf32, #tpu.memory_space<vmem>>, vector<1x512x512xf32>
    %get3A_55 = vector.shape_cast %get3A_54 : vector<1x512x512xf32> to vector<512x512xf32>
    %dot_general3A_56 = arith.constant dense<0.000000e+00> : vector<52x512xf32>
    %dot_general3A_57 = tpu.matmul %get3A_50, %get3A_55, %dot_general3A_56 {dimension_numbers = #tpu.dot_dimension_numbers<[1], [0], [0], [1], [0, 0, 1, 1], [], []>, transpose_lhs_hint = false} : vector<52x512xf32>, vector<512x512xf32>, vector<52x512xf32> -> vector<52x512xf32>
    %get3A_58 = arith.constant 0 : index
    %get3A_59 = arith.constant 0 : index
    %get3A_60 = vector.load %arg3[%get3A_58, %get3A_59] : memref<1x512xf32, #tpu.memory_space<vmem>>, vector<1x512xf32>
    %mul3A = vector.broadcast %get3A_60 : vector<1x512xf32> to vector<52x512xf32>
    %mul3A_61 = arith.mulf %dot_general3A_9, %mul3A : vector<52x512xf32>
    %reduce_sum3A = arith.constant dense<0.000000e+00> : vector<52xf32>
    %reduce_sum3A_62 = vector.multi_reduction <add>, %mul3A_61, %reduce_sum3A [1] : vector<52x512xf32> to vector<52xf32>
    %broadcast_in_dim3A = vector.shape_cast %reduce_sum3A_62 : vector<52xf32> to vector<52x1xf32>
    %mul3A_63 = vector.broadcast %get3A_60 : vector<1x512xf32> to vector<52x512xf32>
    %mul3A_64 = arith.mulf %dot_general3A_21, %mul3A_63 : vector<52x512xf32>
    %reduce_sum3A_65 = arith.constant dense<0.000000e+00> : vector<52xf32>
    %reduce_sum3A_66 = vector.multi_reduction <add>, %mul3A_64, %reduce_sum3A_65 [1] : vector<52x512xf32> to vector<52xf32>
    %broadcast_in_dim3A_67 = vector.shape_cast %reduce_sum3A_66 : vector<52xf32> to vector<52x1xf32>
    %mul3A_68 = vector.broadcast %get3A_60 : vector<1x512xf32> to vector<52x512xf32>
    %mul3A_69 = arith.mulf %dot_general3A_33, %mul3A_68 : vector<52x512xf32>
    %reduce_sum3A_70 = arith.constant dense<0.000000e+00> : vector<52xf32>
    %reduce_sum3A_71 = vector.multi_reduction <add>, %mul3A_69, %reduce_sum3A_70 [1] : vector<52x512xf32> to vector<52xf32>
    %broadcast_in_dim3A_72 = vector.shape_cast %reduce_sum3A_71 : vector<52xf32> to vector<52x1xf32>
    %mul3A_73 = vector.broadcast %get3A_60 : vector<1x512xf32> to vector<52x512xf32>
    %mul3A_74 = arith.mulf %dot_general3A_45, %mul3A_73 : vector<52x512xf32>
    %reduce_sum3A_75 = arith.constant dense<0.000000e+00> : vector<52xf32>
    %reduce_sum3A_76 = vector.multi_reduction <add>, %mul3A_74, %reduce_sum3A_75 [1] : vector<52x512xf32> to vector<52xf32>
    %broadcast_in_dim3A_77 = vector.shape_cast %reduce_sum3A_76 : vector<52xf32> to vector<52x1xf32>
    %mul3A_78 = vector.broadcast %get3A_60 : vector<1x512xf32> to vector<52x512xf32>
    %mul3A_79 = arith.mulf %dot_general3A_57, %mul3A_78 : vector<52x512xf32>
    %reduce_sum3A_80 = arith.constant dense<0.000000e+00> : vector<52xf32>
    %reduce_sum3A_81 = vector.multi_reduction <add>, %mul3A_79, %reduce_sum3A_80 [1] : vector<52x512xf32> to vector<52xf32>
    %broadcast_in_dim3A_82 = vector.shape_cast %reduce_sum3A_81 : vector<52xf32> to vector<52x1xf32>
    %max3A = arith.maximumf %broadcast_in_dim3A, %broadcast_in_dim3A_67 : vector<52x1xf32>
    %max3A_83 = arith.maximumf %max3A, %broadcast_in_dim3A_72 : vector<52x1xf32>
    %max3A_84 = arith.maximumf %max3A_83, %broadcast_in_dim3A_77 : vector<52x1xf32>
    %max3A_85 = arith.maximumf %max3A_84, %broadcast_in_dim3A_82 : vector<52x1xf32>
    %sub3A = arith.subf %broadcast_in_dim3A, %max3A_85 : vector<52x1xf32>
    %exp3A = math.exp %sub3A : vector<52x1xf32>
    %sub3A_86 = arith.subf %broadcast_in_dim3A_67, %max3A_85 : vector<52x1xf32>
    %exp3A_87 = math.exp %sub3A_86 : vector<52x1xf32>
    %sub3A_88 = arith.subf %broadcast_in_dim3A_72, %max3A_85 : vector<52x1xf32>
    %exp3A_89 = math.exp %sub3A_88 : vector<52x1xf32>
    %sub3A_90 = arith.subf %broadcast_in_dim3A_77, %max3A_85 : vector<52x1xf32>
    %exp3A_91 = math.exp %sub3A_90 : vector<52x1xf32>
    %sub3A_92 = arith.subf %broadcast_in_dim3A_82, %max3A_85 : vector<52x1xf32>
    %exp3A_93 = math.exp %sub3A_92 : vector<52x1xf32>
    %add3A = arith.addf %exp3A, %exp3A_87 : vector<52x1xf32>
    %add3A_94 = arith.addf %add3A, %exp3A_89 : vector<52x1xf32>
    %add3A_95 = arith.addf %add3A_94, %exp3A_91 : vector<52x1xf32>
    %add3A_96 = arith.addf %add3A_95, %exp3A_93 : vector<52x1xf32>
    %mul3A_97 = vector.broadcast %exp3A : vector<52x1xf32> to vector<52x512xf32>
    %mul3A_98 = arith.mulf %mul3A_97, %dot_general3A_9 : vector<52x512xf32>
    %mul3A_99 = vector.broadcast %exp3A_87 : vector<52x1xf32> to vector<52x512xf32>
    %mul3A_100 = arith.mulf %mul3A_99, %dot_general3A_21 : vector<52x512xf32>
    %add3A_101 = arith.addf %mul3A_98, %mul3A_100 : vector<52x512xf32>
    %mul3A_102 = vector.broadcast %exp3A_89 : vector<52x1xf32> to vector<52x512xf32>
    %mul3A_103 = arith.mulf %mul3A_102, %dot_general3A_33 : vector<52x512xf32>
    %add3A_104 = arith.addf %add3A_101, %mul3A_103 : vector<52x512xf32>
    %mul3A_105 = vector.broadcast %exp3A_91 : vector<52x1xf32> to vector<52x512xf32>
    %mul3A_106 = arith.mulf %mul3A_105, %dot_general3A_45 : vector<52x512xf32>
    %add3A_107 = arith.addf %add3A_104, %mul3A_106 : vector<52x512xf32>
    %mul3A_108 = vector.broadcast %exp3A_93 : vector<52x1xf32> to vector<52x512xf32>
    %mul3A_109 = arith.mulf %mul3A_108, %dot_general3A_57 : vector<52x512xf32>
    %add3A_110 = arith.addf %add3A_107, %mul3A_109 : vector<52x512xf32>
    %div3A = vector.broadcast %add3A_96 : vector<52x1xf32> to vector<52x512xf32>
    %div3A_111 = arith.divf %add3A_110, %div3A : vector<52x512xf32>
    %get3A_112 = arith.constant 0 : index
    %get3A_113 = arith.constant 0 : index
    %get3A_114 = vector.load %arg2[%get3A_112, %get3A_113] : memref<1x512xf32, #tpu.memory_space<vmem>>, vector<1x512xf32>
    %add3A_115 = vector.broadcast %get3A_114 : vector<1x512xf32> to vector<52x512xf32>
    %add3A_116 = arith.addf %div3A_111, %add3A_115 : vector<52x512xf32>
    %swap3A = arith.constant 0 : index
    %swap3A_117 = arith.constant 0 : index
    %swap3A_118 = vector.load %arg4[%swap3A, %swap3A_117] : memref<52x512xf32, #tpu.memory_space<vmem>>, vector<52x512xf32>
    tpu.vector_store %arg4[%swap3A, %swap3A_117], %add3A_116 {strides = array<i32>} : memref<52x512xf32, #tpu.memory_space<vmem>>, vector<52x512xf32>,
    return
  }
}

</mosaic_0001>

<sc_bundles>
// kernel: kernel.5.cloned.1.call-start
scs
__scs_entry_jumppad:
0x0: {  	(pc) =	sbr.rel $0x88, $3  }
0x1: {  	(tag) =	ssettag $0x0;
	lr =	simm.s32 $0x1  }
0x2: {  	[smem:$0x3F91] =	sst lr;
	_ =	strace $0xD0000000  }
0x3: {  	_ = 	snop  }
0x4: {  	_ = 	snop  }
0x5: {  	_ = 	snop  }
0x6: {  	_ = 	snop  }
0x7: {  	_ = 	snop  }
__scs_overlays_trampoline_lowered:
0x8: {  	[smem:$0x3FA0] =	sst s0  }
0x9: {  	[smem:$0x3FA1] =	sst s1  }
0xa: {  	[smem:$0x3FA2] =	sst s2  }
0xb: {  	[smem:$0x3FA3] =	sst s3  }
0xc: {  	[smem:$0x3FA4] =	sst s4  }
0xd: {  	[smem:$0x3FA5] =	sst s5  }
0xe: {  	[smem:$0x3FA6] =	sst s6  }
0xf: {  	[smem:$0x3FA7] =	sst s7  }
0x10: {  	[smem:$0x3FA8] =	sst s8  }
0x11: {  	[smem:$0x3FA9] =	sst s9;
	s0 =	simm.s32 @!p0 $0x0  }
0x12: {  	s1 =	sld [smem:$0x3F8F];
	s0 =	simm.s32 @p0 $0x1  }
0x13: {  	[smem:$0x3FAA] =	sst s0;
	s0 =	simm.s32 @!p1 $0x0  }
0x14: {  	s2 =	sld [smem:$0x3F8E];
	s0 =	simm.s32 @p1 $0x1  }
0x15: {  	[smem:$0x3FAB] =	sst s0;
	s0 =	simm.s32 @!p2 $0x0  }
0x16: {  	s3 =	sld [smem:$0x3FDB];
	s0 =	simm.s32 @p2 $0x1  }
0x17: {  	s4 =	simm.s32 $0x1BF5;
	[smem:$0x3FAD] =	sst s0  }
0x18: {  	s0 =	sld [smem:$0x3F90];
	_ =	swait.ge [sflag:s4], $0x0  }
0x19: {  	s7 =	sld [smem:$0x3F91]  }
0x1a: {  	s8 =	sadd.s32 $0xFFFFE003, lr  }
0x1b: {  	s9 =	sadd.s32 $0xFFFFFEF7, lr;
	s5 =	simm.s32 $0xFFFFFFFF;
	p2 =	slt.u32 s8, $0xFFFFF086  }
0x1c: {  	p1 =	slt.u32 s9, $0xF7A;
	s5 =	simm.s32 @!p2 $0x0  }
0x1d: {  	s5 =	simm.s32 @p1 $0x1;
	p0 =	seq.s32 s7, s2  }
0x1e: {  	s7 =	smul.u32 @!p0 $0xF7A, s2;
	p2 =	seq.s32 @!p0 s5, $0x0  }
0x1f: {  	s9 =	smul.u32 $0xF7A, s1;
	s8 =	simm.s32 @!p0 $0x1BF5;
	p2 =	por !p2, p0  }
0x20: {  	[sflag:s8] =	ssyncset.s32 @!p0 $0xFFFFF086;
	s6 =	sadd.s32 @!p0 s3, s7;
	s7 =	simm.s32 @!p0 $0x108  }
0x21: {  	s3 =	sadd.s32 s3, s9;
	s6 =	sadd.s32 @!p0 $0x88, s6;
	s7 =	simm.s32 @p2 $0x1082  }
0x22: {  	[simem:s7], [sflag:s8] =	dma.local @!p0 [hbm:s6], $0xF7A  }
0x23: {  	s9 =	sor.u32 $0xD0000000, s2;
	s6 =	simm.s32 $0x108;
	_ =	swait.ge @!p0 [sflag:s8], $0x0  }
0x24: {  	s3 =	sadd.s32 $0x88, s3;
	s6 =	simm.s32 @!p1 $0x1082;
	[sflag:s4] =	ssyncset.s32 $0xFFFFF086  }
0x25: {  	[simem:s6], [sflag:s4] =	dma.local [hbm:s3], $0xF7A  }
0x26: {  	[smem:$0x3F91] =	sst s1;
	(tag) =	ssettag s2;
	_ =	strace s9  }
0x27: {  	s1 =	sld [smem:$0x3FA1]  }
0x28: {  	s2 =	sld [smem:$0x3FA2]  }
0x29: {  	s4 =	sld [smem:$0x3FA4]  }
0x2a: {  	p0 =	seq.s32 s5, $0x0;
	s5 =	sld [smem:$0x3FA5]  }
0x2b: {  	s6 =	sld [smem:$0x3FA6]  }
0x2c: {  	s7 =	sld [smem:$0x3FA7]  }
0x2d: {  	s3 =	simm.s32 $0x108;
	s8 =	sld [smem:$0x3FA8]  }
0x2e: {  	s3 =	simm.s32 @!p0 $0x1082;
	s9 =	sld [smem:$0x3FA9]  }
0x2f: {  	lr =	sadd.s32 s0, s3;
	s0 =	sld [smem:$0x3FA0]  }
0x30: {  	s3 =	sld [smem:$0x3FA3]  }
0x31: {  	[smem:$0x3FAC] =	sst s10  }
0x32: {  	s10 =	sld [smem:$0x3FAA];
	_ =	sdelay $0x3  }
0x33: {  	p0 =	seq.s32 s10, $0x1;
	s10 =	sld [smem:$0x3FAC];
	_ =	sdelay $0x3  }
0x34: {  	[smem:$0x3FAC] =	sst s10  }
0x35: {  	s10 =	sld [smem:$0x3FAB];
	_ =	sdelay $0x3  }
0x36: {  	p1 =	seq.s32 s10, $0x1;
	s10 =	sld [smem:$0x3FAC];
	_ =	sdelay $0x3  }
0x37: {  	[smem:$0x3FAC] =	sst s10  }
0x38: {  	s10 =	sld [smem:$0x3FAD]  }
0x39: {  	_ = 	snop;
	(pc) =	sbr.ind lr, $3  }
0x3a: {  	_ = 	snop  }
0x3b: {  	_ = 	snop  }
0x3c: {  	p2 =	seq.s32 s10, $0x1;
	s10 =	sld [smem:$0x3FAC]  }
0x3d: {  	_ =	shalt  }
0x3e: {  	_ =	shalt  }
0x3f: {  	_ =	shalt  }
0x40: {  	_ =	shalt  }
0x41: {  	_ =	shalt  }
0x42: {  	_ =	shalt  }
0x43: {  	_ =	shalt  }
0x44: {  	_ =	shalt  }
0x45: {  	_ =	shalt  }
0x46: {  	_ =	shalt  }
0x47: {  	_ =	shalt  }
0x48: {  	_ =	shalt  }
0x49: {  	_ =	shalt  }
0x4a: {  	_ =	shalt  }
0x4b: {  	_ =	shalt  }
0x4c: {  	_ =	shalt  }
0x4d: {  	_ =	shalt  }
0x4e: {  	_ =	shalt  }
0x4f: {  	_ =	shalt  }
0x50: {  	_ =	shalt  }
0x51: {  	_ =	shalt  }
0x52: {  	_ =	shalt  }
0x53: {  	_ =	shalt  }
0x54: {  	_ =	shalt  }
0x55: {  	_ =	shalt  }
0x56: {  	_ =	shalt  }
0x57: {  	_ =	shalt  }
0x58: {  	_ =	shalt  }
0x59: {  	_ =	shalt  }
0x5a: {  	_ =	shalt  }
0x5b: {  	_ =	shalt  }
0x5c: {  	_ =	shalt  }
0x5d: {  	_ =	shalt  }
0x5e: {  	_ =	shalt  }
0x5f: {  	_ =	shalt  }
0x60: {  	_ =	shalt  }
0x61: {  	_ =	shalt  }
0x62: {  	_ =	shalt  }
0x63: {  	_ =	shalt  }
0x64: {  	_ =	shalt  }
0x65: {  	_ =	shalt  }
0x66: {  	_ =	shalt  }
0x67: {  	_ =	shalt  }
0x68: {  	_ =	shalt  }
0x69: {  	_ =	shalt  }
0x6a: {  	_ =	shalt  }
0x6b: {  	_ =	shalt  }
0x6c: {  	_ =	shalt  }
0x6d: {  	_ =	shalt  }
0x6e: {  	_ =	shalt  }
0x6f: {  	_ =	shalt  }
0x70: {  	_ =	shalt  }
0x71: {  	_ =	shalt  }
0x72: {  	_ =	shalt  }
0x73: {  	_ =	shalt  }
0x74: {  	_ =	shalt  }
0x75: {  	_ =	shalt  }
0x76: {  	_ =	shalt  }
0x77: {  	_ =	shalt  }
0x78: {  	_ =	shalt  }
0x79: {  	_ =	shalt  }
0x7a: {  	_ =	shalt  }
0x7b: {  	_ =	shalt  }
0x7c: {  	_ =	shalt  }
0x7d: {  	_ =	shalt  }
0x7e: {  	_ =	shalt  }
0x7f: {  	_ =	shalt  }
0x80: {  	_ =	shalt  }
0x81: {  	_ =	shalt  }
0x82: {  	_ =	shalt  }
0x83: {  	_ =	shalt  }
0x84: {  	_ =	shalt  }
0x85: {  	_ =	shalt  }
0x86: {  	_ =	shalt  }
0x87: {  	_ =	shalt  }
.Lfunc_end0:
.L_simem_size_0:
called_computation_lowered:
.L_overlay_start_0:
0x88: {  	s2 =	sld [smem:$0x3FD9]  }
0x89: {  	s3 =	sld [smem:$0x3FFE];
	_ =	sdelay $0x1  }
0x8a: {  	s1 =	srdreg.scid  }
0x8b: {  	s0 =	sand.u32 $0x1, s1  }
0x8c: {  	s17 =	sshll.u32 s0, $0xA;
	s2 =	sadd.s32 s3, s2  }
0x8d: {  	s2 =	sadd.s32 s2, s17  }
0x8e: {  	[smem:$0x3FB8] =	sst s2  }
0x8f: {  	_ = 	snop  }
0x90: {  	s2 =	sld [smem:$0x3FC8]  }
0x91: {  	s18 =	sld [smem:$0x3FC7];
	(tm) =	ssettm $0x1  }
0x92: {  	s4 =	sld [smem:$0x3FFB];
	_ =	sdelay $0x3  }
0x93: {  	_ =	strace s4  }
0x94: {  	s4 =	sld [smem:$0x3FFC];
	_ =	sdelay $0x3  }
0x95: {  	_ =	strace s4  }
0x96: {  	s4 =	sld [smem:$0x3FFD];
	_ =	sdelay $0x3  }
0x97: {  	_ =	strace s4  }
0x98: {  	_ =	strace $0x8FFFFFFF  }
0x99: {  	s19 =	sld [smem:$0x3FDB];
	_ =	sdelay $0x1  }
0x9a: {  	s5 =	simm.s32 $_scs_section_size  }
0x9b: {  	s6 =	simm.s32 $_size__tile_overlayer_lowered;
	s7 =	simm.s32 $_tile_overlayer_lowered  }
0x9c: {  	s22 =	simm.s32 $0x1BFF;
	s21 =	sshll.u32 s7, $0x1;
	s4 =	sadd.s32 s5, s19  }
0x9d: {  	s8 =	simm.s32 $0x0;
	s20 =	sshll.u32 s6, $0x1;
	s6 =	sadd.s32 s21, s4  }
0x9e: {  	[timem:s8], [sflag:s22] =	dma.local [hbm:s6], s20  }
0x9f: {  	_ =	swait.ge [sflag:s22], s20  }
0xa0: {  	s5 =	ssub.s32 $0x0, s20;
	[sflag:s22] =	ssyncset.done $0x0  }
0xa1: {  	[sflag:s22] =	ssyncadd.s32 s5;
	_ =	sdelay $0x1  }
0xa2: {  	s23 =	simm.s32 $0x1B8B  }
0xa3: {  	_ =	swait.ge [sflag:s23], $0x1  }
0xa4: {  	[sflag:s23] =	ssyncset.done $0x0  }
0xa5: {  	s25 =	simm.s32 $0x1B8E;
	s24 =	sld [smem:$0x3FFE];
	[sflag:s23] =	ssyncadd.s32 $0xFFFFFFFF  }
0xa6: {  	s26 =	simm.s32 $execute0_lowered;
	[smem:$0x3FD2] =	sst s25  }
0xa7: {  	s6 =	sshll.u32 s26, $0x1;
	_ =	strace $0x80000046;
	[dreg:$0x1] =	wrdreg $0xFFFFFFFF  }
0xa8: {  	s28 =	simm.s32 $_size_execute0_lowered;
	s4 =	sadd.s32 s4, s6;
	[dreg:$0x0] =	wrdreg $0x0  }
0xa9: {  	s6 =	sshll.u32 s28, $0x1;
	[dreg:$0x2] =	wrdreg s4  }
0xaa: {  	[dreg:$0x3] =	wrdreg s6  }
0xab: {  	[dreg:$0x4] =	wrdreg $0xC0  }
0xac: {  	_ =	task [dreg:s8], $0x5FFFF  }
0xad: {  	[dreg:$0x1] =	wrdreg $0xFFFFFFFF  }
0xae: {  	[dreg:$0x0] =	wrdreg $0x60  }
0xaf: {  	[dreg:$0x2] =	wrdreg s2  }
0xb0: {  	[dreg:$0x3] =	wrdreg s18  }
0xb1: {  	[dreg:$0x4] =	wrdreg s24  }
0xb2: {  	[dreg:$0x5] =	wrdreg $0x9  }
0xb3: {  	_ =	task.clear_ibuf [dreg:s8], $0x6FFFF;
	_ =	strace $0x90000046  }
0xb4: {  	s29 =	simm.s32 $0x9;
	_ =	strace $0x80000048  }
0xb5: {  	_ =	swait.ge [sflag:s29], $0x1  }
0xb6: {  	[sflag:s29] =	ssyncadd.s32 $0xFFFFFFFF  }
0xb7: {  	_ =	strace $0x90000048  }
0xb8: {  	_ =	sfence  }
0xb9: {  	s30 =	sld [smem:$0x0];
	_ =	sdelay $0x2  }
0xba: {  	s31 =	sshll.u32 s1, $0xD;
	s1 =	sshrl.u32 s1, $0x2  }
0xbb: {  	s3 =	sand.u32 $0x4000, s31;
	s1 =	sadd.s32 s1, s30  }
0xbc: {  	s0 =	sor.u32 s3, s0;
	s1 =	sshll.u32 s1, $0x11  }
0xbd: {  	s0 =	sor.u32 s1, s0  }
0xbe: {  	s0 =	sadd.s32 $0x8F2B, s0  }
0xbf: {  	[sflag:s0] =	ssyncadd.remote.s32 $0x1  }
0xc0: {  	_ =	sfence.sel $0xFFFF  }
0xc1: {  	[dreg:$0x0] =	wrdreg $0xFFFFFFFF;
	(pc) =	sbr.abs _section_cstart, $3  }
0xc2: {  	[dreg:$0x1] =	wrdreg $0xFFFFFFFF  }
0xc3: {  	_ =	task.clear_ibuf [dreg:s8], $0x2FFFF;
	_ =	strace $0x9FFFFFFF  }
0xc4: {  	(tm) =	ssettm $0x7FFFFFFF  }
0xc5: {  	_ =	shalt  }
tec
execute0_lowered:
.L_overlay_start_1:
0x0: {  	(tag) =	ssettag $0x1  }
0x1: {  	s5 =	stileid.u32  }
0x2: {  	p0 =	sne.s32 s5, $0x0  }
.Ltmp0:
0x3: {  	s1 =	rddreg [dreg:$0x0];
	(pc) =	sbr.rel @p0 .LBB2_7-.Ltmp0, $4  }
0x4: {  	s2 =	rddreg [dreg:$0x1]  }
0x5: {  	s4 =	rddreg [dreg:$0x2];
	s3 =	simm.s32 $0x0  }
0x6: {  	[smem:$0x7FF] =	sst s3  }
0x7: {  	s0 =	rddreg [dreg:$0x3];
	_ =	strace $0x80000047  }
0x8: {  	s5 =	srdreg.scid  }
0x9: {  	s7 =	sand.u32 $0x1, s5  }
0xa: {  	s10 =	simm.s32 $0x1;
	s11 =	simm.s32 $0x2;
	s5 =	smul.u32 $0x380, s7  }
0xb: {  	s12 =	simm.s32 $0x3;
	s31 =	ssub.s32 $0x2, s7;
	s6 =	smul.u32 $0x680, s7  }
0xc: {  	s8 =	sshrl.u32 s31, $0x1;
	s4 =	sadd.s32 s5, s4;
	s5 =	smul.u32 $0x340, s7  }
0xd: {  	s8 =	ssub.s32 s31, s8;
	s9 =	sshrl.u32 s6, $0x2;
	s7 =	smul.u32 $0x1A0, s7  }
0xe: {  	s4 =	sadd.s32 $0x2200, s4;
	s6 =	smax.u32 s8, $0x1;
	s13 =	sadd.s32 $0x2300, s9  }
0xf: {  	v0 =	vimm.f32 $0.0e+00;
	s8 =	simm.s32 $0x1C00;
	s9 =	simm.s32 $0x2300;
	v1 =	vmov s13;
	s13 =	simm.s32 $0x0  }
.LBB2_2:
0x10: {  	s14 =	simm.s32 $0x0  }
0x11: {  	[tilespmem:s8], [sflag:$0x1] =	stream.linear.gather [hbm4b:s1+s14], $0x700, $0x38;
	[tilespmem:$0x2680] =	vst v63  }
0x12: {  	_ = 	snop  }
0x13: {  	[tilespmem:s9], [sflag:$0x2] =	stream.linear.gather [hbm4b:s2+s14], $0x380, $0x38;
	[tilespmem:$0x2680] =	vst v63  }
0x14: {  	s15 =	simm.s32 $0x200;
	s14 =	simm.s32 $0x0  }
.LBB2_3:
0x15: {  	p1 =	sne.s32 s15, $0x6600;
	[tilespmem:s14+$0x30] =	vst v0;
	s16 =	smov.u32 s15;
	s15 =	sadd.s32 $0x200, s15  }
.Ltmp1:
0x16: {  	[tilespmem:s14+$0x20] =	vst v0;
	(pc) =	sbr.rel @p1 .LBB2_3-.Ltmp1, $3  }
0x17: {  	[tilespmem:s14+$0x0] =	vst v0  }
0x18: {  	[tilespmem:s14+$0x10] =	vst v0;
	_ =	sdelay $0x1  }
0x19: {  	s14 =	sshra.s32 s16, $0x2  }
0x1a: {  	[tilespmem:s14+$0x30] =	vst v0  }
0x1b: {  	[tilespmem:s14+$0x20] =	vst v0  }
0x1c: {  	[tilespmem:s14+$0x0] =	vst v0  }
0x1d: {  	[tilespmem:s14+$0x10] =	vst v0  }
0x1e: {  	_ =	swait.ge [sflag:s10], $0x700  }
0x1f: {  	[sflag:s10] =	ssyncset.done $0x0  }
0x20: {  	s15 =	sand.u32 $0x70, s7;
	[sflag:s10] =	ssyncadd.s32 $0xFFFFF900  }
0x21: {  	s16 =	sand.u32 $0x700, s5;
	s14 =	simm.s32 $0x0;
	_ =	swait.ge [sflag:s11], $0x380  }
0x22: {  	s17 =	smov.u32 s7;
	s18 =	sor.u32 s15, s16;
	[sflag:s11] =	ssyncset.done $0x0  }
0x23: {  	s15 =	simm.s32 $0x40;
	s16 =	smov.u32 s5;
	[sflag:s11] =	ssyncadd.s32 $0xFFFFFC80  }
.LBB2_5:
0x24: {  	p1 =	sne.s32 s15, $0x640;
	v2 =	vld [tilespmem:s18+$0x1C80]  }
0x25: {  	v3 =	vld [tilespmem:s18+$0x1C00];
	_ =	sdelay $0x4  }
0x26: {  	s18 =	sshra.s32 s14, $0x2;
	s14 =	smov.u32 s15;
	v2 =	vshll.u32 v2, $0x7;
	v4 =	vand.u32 $0xFFFFFF80, v3  }
0x27: {  	v3 =	vand.u32 $0x7F, v3;
	v5 =	vld.idx.msk [tilespmem:v1+s18+$0x0 ss:$0x1], $0xffff;
	v2 =	vadd.s32 v4, v2  }
0x28: {  	v2 =	vor.u32 v3, v2  }
.Ltmp2:
0x29: {  	(pc) =	sbr.rel @p1 .LBB2_5-.Ltmp2, $4  }
0x2a: {  	_ = 	snop  }
0x2b: {  	s16 =	sadd.s32 $0x20, s16;
	s17 =	sadd.s32 $0x10, s17  }
0x2c: {  	s19 =	sand.u32 $0x700, s16;
	s18 =	sand.u32 $0x70, s17  }
0x2d: {  	s15 =	sadd.s32 $0x40, s15;
	s18 =	sor.u32 s18, s19;
	[tilespmem:v2+s3+$0x0] =	vst.idx.add.f32.msk $0xffff, v5  }
0x2e: {  	v2 =	vld [tilespmem:s18+$0x1C80]  }
0x2f: {  	v3 =	vld [tilespmem:s18+$0x1C00];
	_ =	sdelay $0x4  }
0x30: {  	v4 =	vand.u32 $0xFFFFFF80, v3;
	v2 =	vshll.u32 v2, $0x7  }
0x31: {  	s14 =	sshra.s32 s14, $0x2;
	v3 =	vand.u32 $0x7F, v3;
	v2 =	vadd.s32 v4, v2  }
0x32: {  	v63 =	vld.idx.msk [tilespmem:v1+s14+$0x0 ss:$0x1], $0xffff;
	v2 =	vor.u32 v3, v2;
	_ =	sdelay $0x2  }
0x33: {  	s13 =	sadd.s32 $0x1, s13  }
0x34: {  	p1 =	sne.s32 s13, s6  }
.Ltmp3:
0x35: {  	[tilespmem:v2+s3+$0x0] =	vst.idx.add.f32.msk $0xffff, v63;
	(pc) =	sbr.rel @p1 .LBB2_2-.Ltmp3, $4  }
0x36: {  	[hbm4b:s4+s3] =	stream.linear.scatter [tilespmem:s3], [sflag:$0x3], $0x1A00, $0x38;
	[tilespmem:$0x2680] =	vst v63  }
0x37: {  	_ =	swait.ge [sflag:s12], $0x1A00  }
0x38: {  	[sflag:s12] =	ssyncset.done $0x0  }
0x39: {  	[sflag:s12] =	ssyncadd.s32 $0xFFFFE600  }
.LBB2_7:
0x3a: {  	_ =	sfence.sel $0x180000  }
0x3b: {  	[bflag:$0x0] =	sbarrier.arrive $0xFFFF  }
0x3c: {  	_ =	strace $0x90000047  }
0x3d: {  	s0 =	sadd.s32 @!p0 $0x100000, s0;
	[bflag:$0x2] =	sbarrier.arrive $0xFFFF  }
0x3e: {  	[sflag:s0] =	ssyncadd.tile.s32 @!p0 $0x1;
	_ =	shalt  }
.Lfunc_end2:
_tile_overlayer_lowered:
.L_overlay_start_2:
0x3f: {  	(tag) =	ssettag $0x2  }
0x40: {  	s0 =	rddreg [dreg:$0x0];
	s2 =	stileid.u32  }
0x41: {  	s1 =	rddreg [dreg:$0x1];
	p0 =	sne.s32 s2, $0x0  }
0x42: {  	s3 =	rddreg [dreg:$0x2];
	[bflag:$0x3] =	sbarrier.arrive $0xFFFF;
	s2 =	simm.s32 @!p0 $0x1C03  }
0x43: {  	[timem:s3], [sflag:s2] =	dma.local @!p0 [hbm:s0], s1  }
0x44: {  	s0 =	simm.s32 @!p0 $0x3  }
0x45: {  	_ =	swait.ge @!p0 [sflag:s0], s1  }
0x46: {  	s1 =	ssub.s32 @!p0 $0x0, s1;
	[sflag:s0] =	ssyncset.done @!p0 $0x0  }
0x47: {  	[sflag:s0] =	ssyncadd.s32 @!p0 s1  }
0x48: {  	[bflag:$0x3] =	sbarrier.arrive $0xFFFF  }
0x49: {  	_ =	shalt  }

</sc_bundles>
